<compile_context>
chip_gen: v7x
topology: tpu7x:2x2x1
jax: 0.10.2.dev20260603
libtpu: 0.0.44.dev20260713+nightly
codegen_flags: <defaults>
</compile_context>

<pallas_src>
import functools

import jax
import jax.numpy as jnp
from jax import lax
from jax.experimental import pallas as pl
from jax.experimental.pallas import tpu as pltpu
from jax.experimental.pallas import tpu_sc as plsc

B, CIN, HID, LAT, K = 4096, 768, 1024, 32, 512
TILE = 1024
GRID = B // TILE
NCAND = 3
GLANE = 128


def _dot(a, b, precision=None):
    return jax.lax.dot_general(
        a, b, (((1,), (0,)), ((), ())),
        preferred_element_type=jnp.float32,
        precision=precision)


def _encode_kernel(x_ref, embt_ref, w1_ref, b1_ref, w2_ref, b2_ref,
                   w3_ref, b3_ref, f_ref, idx_ref):
    h1 = jax.nn.relu(_dot(x_ref[...], w1_ref[...]) + b1_ref[...])
    h2 = jax.nn.relu(_dot(h1, w2_ref[...]) + b2_ref[...])
    f = jax.nn.relu(_dot(h2, w3_ref[...]) + b3_ref[...])
    f_ref[...] = f

    embt = embt_ref[...]
    esq = jnp.sum(embt * embt, axis=0, keepdims=True)
    sc = _dot(f, embt, precision=jax.lax.Precision.HIGHEST)
    score = esq - (sc + sc)

    iota = jax.lax.broadcasted_iota(jnp.int32, (TILE, K), 1)
    s_cur = score
    for c in range(NCAND):
        m = jnp.min(s_cur, axis=1, keepdims=True)
        i_c = jnp.min(jnp.where(s_cur <= m, iota, K), axis=1)[:, None]
        idx_ref[:, c:c + 1] = i_c
        s_cur = jnp.where(iota == i_c, jnp.inf, s_cur)


def _sc_gather(emb_hbm, idx_hbm, out_hbm, idx_v, rows_v, sem):
    info = plsc.get_sparse_core_info()
    nw = info.num_cores * info.num_subcores
    b_per_w = (NCAND * B) // nw
    wid = lax.axis_index("s") * info.num_cores + lax.axis_index("c")
    base = wid * b_per_w
    pltpu.sync_copy(idx_hbm.at[pl.ds(base, b_per_w)], idx_v)
    pltpu.async_copy(emb_hbm.at[idx_v], rows_v, sem).wait()
    pltpu.sync_copy(rows_v, out_hbm.at[pl.ds(base, b_per_w)])


def _decode_kernel(f_ref, idx_ref, cand_ref, w4_ref, b4_ref, w5_ref, b5_ref,
                   w6_ref, b6_ref, recon_ref, q_ref, loss_ref):
    i = pl.program_id(0)
    f = f_ref[...]

    def exact_dist(ec):
        t = f - ec
        t = t * t
        acc = None
        for a in range(4):
            v = t[:, 8 * a:8 * a + 8]
            v = v[:, 0:4] + v[:, 4:8]
            v = v[:, 0:2] + v[:, 2:4]
            v = v[:, 0:1] + v[:, 1:2]
            acc = v if acc is None else acc + v
        return acc

    d_w = i_w = e_w = None
    for c in range(NCAND):
        e_c = cand_ref[pl.ds(c * TILE, TILE), :LAT]
        i_c = idx_ref[:, c:c + 1]
        d_c = exact_dist(e_c)
        if c == 0:
            d_w, i_w, e_w = d_c, i_c, e_c
        else:
            take = (d_c < d_w) | ((d_c == d_w) & (i_c < i_w))
            d_w = jnp.where(take, d_c, d_w)
            i_w = jnp.where(take, i_c, i_w)
            e_w = jnp.where(take, e_c, e_w)

    q = e_w
    dq = q - f
    part = jnp.sum(dq * dq)

    @pl.when(i == 0)
    def _():
        loss_ref[0, 0] = 0.0
    loss_ref[0, 0] += part

    q = f + dq
    d1 = jax.nn.relu(_dot(q, w4_ref[...]) + b4_ref[...])
    d2 = jax.nn.relu(_dot(d1, w5_ref[...]) + b5_ref[...])
    recon_ref[...] = jax.nn.sigmoid(_dot(d2, w6_ref[...]) + b6_ref[...])
    q_ref[...] = q


@jax.jit
def kernel(x, emb, enc1_w, enc1_b, enc2_w, enc2_b, enc3_w, enc3_b,
           dec1_w, dec1_b, dec2_w, dec2_b, dec3_w, dec3_b):
    rep = lambda shape: pl.BlockSpec(shape, lambda i: (0,) * len(shape))

    f, idx = pl.pallas_call(
        _encode_kernel,
        grid=(GRID,),
        in_specs=[pl.BlockSpec((TILE, CIN), lambda i: (i, 0)),
                  rep((LAT, K)),
                  rep((CIN, HID)), rep((1, HID)),
                  rep((HID, HID)), rep((1, HID)),
                  rep((HID, LAT)), rep((1, LAT))],
        out_specs=[pl.BlockSpec((TILE, LAT), lambda i: (i, 0)),
                   pl.BlockSpec((TILE, NCAND), lambda i: (i, 0))],
        out_shape=[jax.ShapeDtypeStruct((B, LAT), jnp.float32),
                   jax.ShapeDtypeStruct((B, NCAND), jnp.int32)],
    )(x, emb.T, enc1_w.T, enc1_b.reshape(1, -1), enc2_w.T,
      enc2_b.reshape(1, -1), enc3_w.T, enc3_b.reshape(1, -1))

    idx_flat = idx.reshape(GRID, TILE, NCAND).transpose(0, 2, 1).reshape(NCAND * B)

    info = plsc.get_sparse_core_info()
    nw = info.num_cores * info.num_subcores
    b_per_w = (NCAND * B) // nw
    cand = functools.partial(
        pl.kernel, mesh=plsc.VectorSubcoreMesh(core_axis_name="c",
                                               subcore_axis_name="s"),
        out_type=jax.ShapeDtypeStruct((NCAND * B, GLANE), jnp.float32),
        scratch_types=[pltpu.VMEM((b_per_w,), jnp.int32),
                       pltpu.VMEM((b_per_w, GLANE), jnp.float32),
                       pltpu.SemaphoreType.DMA],
    )(_sc_gather)(jnp.pad(emb, ((0, 0), (0, GLANE - LAT))), idx_flat)

    recon, q, loss = pl.pallas_call(
        _decode_kernel,
        grid=(GRID,),
        in_specs=[pl.BlockSpec((TILE, LAT), lambda i: (i, 0)),
                  pl.BlockSpec((TILE, NCAND), lambda i: (i, 0)),
                  pl.BlockSpec((NCAND * TILE, GLANE), lambda i: (i, 0)),
                  rep((LAT, HID)), rep((1, HID)),
                  rep((HID, HID)), rep((1, HID)),
                  rep((HID, CIN)), rep((1, CIN))],
        out_specs=[pl.BlockSpec((TILE, CIN), lambda i: (i, 0)),
                   pl.BlockSpec((TILE, LAT), lambda i: (i, 0)),
                   pl.BlockSpec(memory_space=pltpu.SMEM)],
        out_shape=[jax.ShapeDtypeStruct((B, CIN), jnp.float32),
                   jax.ShapeDtypeStruct((B, LAT), jnp.float32),
                   jax.ShapeDtypeStruct((1, 1), jnp.float32)],
    )(f, idx, cand,
      dec1_w.T, dec1_b.reshape(1, -1), dec2_w.T, dec2_b.reshape(1, -1),
      dec3_w.T, dec3_b.reshape(1, -1))

    vq_loss = loss[0, 0] * (1.25 / (B * LAT))
    return (recon, vq_loss, q)

# --- scband reference (transcript-rebuilt; emitter-appended) ---
"""Pipeline reference for scband-vqvae-40707700031950 (READ-ONLY COPY).

The authoritative reference and input builder live on the scoring server;
editing this copy changes nothing except your own understanding.
"""

import jax, jax.numpy as jnp
import numpy as np

B, CIN, HID, LAT, K = 4096, 768, 1024, 32, 512

def setup_inputs(seed: int = 0) -> dict:
    key = jax.random.key(seed)
    ks = jax.random.split(key, 16)
    x = jax.random.uniform(ks[0], (B, CIN), dtype=jnp.float32)
    emb = jax.random.uniform(ks[1], (K, LAT), dtype=jnp.float32, minval=-1.0/K, maxval=1.0/K)
    def lin(k, out_d, in_d):
        k1, k2 = jax.random.split(k)
        w = jax.random.normal(k1, (out_d, in_d), dtype=jnp.float32) * (1.0/np.sqrt(in_d))
        b = jax.random.normal(k2, (out_d,), dtype=jnp.float32) * 0.01
        return w, b
    enc1_w, enc1_b = lin(ks[2], HID, CIN)
    enc2_w, enc2_b = lin(ks[3], HID, HID)
    enc3_w, enc3_b = lin(ks[4], LAT, HID)
    dec1_w, dec1_b = lin(ks[5], HID, LAT)
    dec2_w, dec2_b = lin(ks[6], HID, HID)
    dec3_w, dec3_b = lin(ks[7], CIN, HID)
    return {"x": x, "emb": emb,
            "enc1_w": enc1_w, "enc1_b": enc1_b,
            "enc2_w": enc2_w, "enc2_b": enc2_b,
            "enc3_w": enc3_w, "enc3_b": enc3_b,
            "dec1_w": dec1_w, "dec1_b": dec1_b,
            "dec2_w": dec2_w, "dec2_b": dec2_b,
            "dec3_w": dec3_w, "dec3_b": dec3_b}

def reference(x, emb, enc1_w, enc1_b, enc2_w, enc2_b, enc3_w, enc3_b,
              dec1_w, dec1_b, dec2_w, dec2_b, dec3_w, dec3_b):
    commitment_cost = 0.25
    h = jax.nn.relu(x @ enc1_w.T + enc1_b)
    h = jax.nn.relu(h @ enc2_w.T + enc2_b)
    enc = jax.nn.relu(h @ enc3_w.T + enc3_b)
    flat = enc.reshape(-1, LAT)
    distances = jnp.sum((flat[:, None, :] - emb[None, :, :]) ** 2, axis=2)
    encoding_indices = jnp.argmin(distances, axis=1)
    quantized = jnp.take(emb, encoding_indices, axis=0)
    e_latent_loss = jnp.mean((jax.lax.stop_gradient(quantized) - flat) ** 2)
    q_latent_loss = jnp.mean((quantized - jax.lax.stop_gradient(flat)) ** 2)
    vq_loss = q_latent_loss + commitment_cost * e_latent_loss
    # training=True straight-through estimator (value unchanged)
    quantized = enc + jax.lax.stop_gradient(quantized - enc)
    d = jax.nn.relu(quantized @ dec1_w.T + dec1_b)
    d = jax.nn.relu(d @ dec2_w.T + dec2_b)
    recon = jax.nn.sigmoid(d @ dec3_w.T + dec3_b)
    return (recon, vq_loss, quantized)

if __name__ == "__main__":
    import jax
    _d = setup_inputs()
    print(jax.jit(kernel)(*tuple(_d.values())))

</pallas_src>

<mosaic_0001>
#map = affine_map<(d0, d1) -> (0, 0)>
#map1 = affine_map<(d0, d1) -> (0)>
module attributes {stable_mosaic.version = 14 : i64} {
  func.func @_sc_gather(%arg0: i32, %arg1: i32, %arg2: memref<512x128xf32, #tpu.memory_space<hbm>>, %arg3: memref<12288xi32, #tpu.memory_space<hbm>>, %arg4: memref<12288x128xf32, #tpu.memory_space<hbm>>, %arg5: memref<384xi32, #tpu.memory_space<vmem>>, %arg6: memref<384x128xf32, #tpu.memory_space<vmem>>, %arg7: memref<!tpu.dma_semaphore, #tpu.memory_space<semaphore_mem>>) attributes {dimension_semantics = [#tpu.dimension_semantics<core_parallel>, #tpu.dimension_semantics<subcore_parallel>], iteration_bounds = array<i64: 2, 16>, scalar_prefetch = 0 : i64, scratch_operands = 3 : i64, tpu.core_type = #tpu.core_type<sc_vector_subcore>, window_params = [{transform_indices = #map}, {transform_indices = #map1}, {transform_indices = #map}]} {
    %mul3A = arith.constant 2 : i32
    %mul3A_0 = arith.muli %arg1, %mul3A : i32
    %add3A = arith.addi %mul3A_0, %arg0 : i32
    %mul3A_1 = arith.constant 384 : i32
    %mul3A_2 = arith.muli %add3A, %mul3A_1 : i32
    "tpu.region"() ({
      %run_scoped3A = tpu.sem_alloc : memref<!tpu.dma_semaphore, #tpu.memory_space<semaphore_mem>>
      %dma_start3A_7 = tpu.memref_slice %arg3[%mul3A_2] : memref<12288xi32, #tpu.memory_space<hbm>> -> memref<384xi32, #tpu.memory_space<hbm>>
      %dma_start3A_8 = tpu.memref_slice %arg3[%mul3A_2] : memref<12288xi32, #tpu.memory_space<hbm>> -> memref<384xi32, #tpu.memory_space<hbm>>
      tpu.enqueue_dma source(%dma_start3A_8 : memref<384xi32, #tpu.memory_space<hbm>>) target(%arg5 : memref<384xi32, #tpu.memory_space<vmem>>) target_semaphore(%run_scoped3A : memref<!tpu.dma_semaphore, #tpu.memory_space<semaphore_mem>>)
      %dma_wait3A_9 = tpu.memref_slice %arg3[%mul3A_2] : memref<12288xi32, #tpu.memory_space<hbm>> -> memref<384xi32, #tpu.memory_space<hbm>>
      %dma_wait3A_10 = tpu.memref_slice %arg3[%mul3A_2] : memref<12288xi32, #tpu.memory_space<hbm>> -> memref<384xi32, #tpu.memory_space<hbm>>
      tpu.wait_dma2 semaphore(%run_scoped3A : memref<!tpu.dma_semaphore, #tpu.memory_space<semaphore_mem>>) src(%dma_wait3A_10 : memref<384xi32, #tpu.memory_space<hbm>>) dst(%arg5 : memref<384xi32, #tpu.memory_space<vmem>>)
      tpu.yield
    }) : () -> ()
    %dma_start3A = arith.constant 0 : i32
    %dma_start3A_3 = arith.constant 0 : i32
    %dma_start3A_4 = tpu.memref_slice %arg2[%dma_start3A, %dma_start3A_3] : memref<512x128xf32, #tpu.memory_space<hbm>> -> memref<512x128xf32, #tpu.memory_space<hbm>>
    tpu.enqueue_indirect_dma source(%dma_start3A_4 : memref<512x128xf32, #tpu.memory_space<hbm>>) target(%arg6 : memref<384x128xf32, #tpu.memory_space<vmem>>) offsets(%arg5 : memref<384xi32, #tpu.memory_space<vmem>>) semaphore(%arg7 : memref<!tpu.dma_semaphore, #tpu.memory_space<semaphore_mem>>)
    %dma_wait3A = arith.constant 0 : i32
    %dma_wait3A_5 = arith.constant 0 : i32
    %dma_wait3A_6 = tpu.memref_slice %arg2[%dma_wait3A, %dma_wait3A_5] : memref<512x128xf32, #tpu.memory_space<hbm>> -> memref<512x128xf32, #tpu.memory_space<hbm>>
    tpu.wait_indirect_dma semaphore(%arg7 : memref<!tpu.dma_semaphore, #tpu.memory_space<semaphore_mem>>) src(%dma_wait3A_6 : memref<512x128xf32, #tpu.memory_space<hbm>>) dst(%arg6 : memref<384x128xf32, #tpu.memory_space<vmem>>)
    "tpu.region"() ({
      %run_scoped3A = tpu.sem_alloc : memref<!tpu.dma_semaphore, #tpu.memory_space<semaphore_mem>>
      %dma_start3A_7 = arith.constant 0 : i32
      %dma_start3A_8 = tpu.memref_slice %arg4[%mul3A_2, %dma_start3A_7] : memref<12288x128xf32, #tpu.memory_space<hbm>> -> memref<384x128xf32, #tpu.memory_space<hbm>>
      %dma_start3A_9 = arith.constant 0 : i32
      %dma_start3A_10 = tpu.memref_slice %arg4[%mul3A_2, %dma_start3A_9] : memref<12288x128xf32, #tpu.memory_space<hbm>> -> memref<384x128xf32, #tpu.memory_space<hbm>>
      tpu.enqueue_dma source(%arg6 : memref<384x128xf32, #tpu.memory_space<vmem>>) target(%dma_start3A_10 : memref<384x128xf32, #tpu.memory_space<hbm>>) target_semaphore(%run_scoped3A : memref<!tpu.dma_semaphore, #tpu.memory_space<semaphore_mem>>)
      %dma_wait3A_11 = arith.constant 0 : i32
      %dma_wait3A_12 = tpu.memref_slice %arg4[%mul3A_2, %dma_wait3A_11] : memref<12288x128xf32, #tpu.memory_space<hbm>> -> memref<384x128xf32, #tpu.memory_space<hbm>>
      %dma_wait3A_13 = arith.constant 0 : i32
      %dma_wait3A_14 = tpu.memref_slice %arg4[%mul3A_2, %dma_wait3A_13] : memref<12288x128xf32, #tpu.memory_space<hbm>> -> memref<384x128xf32, #tpu.memory_space<hbm>>
      tpu.wait_dma2 semaphore(%run_scoped3A : memref<!tpu.dma_semaphore, #tpu.memory_space<semaphore_mem>>) src(%arg6 : memref<384x128xf32, #tpu.memory_space<vmem>>) dst(%dma_wait3A_14 : memref<384x128xf32, #tpu.memory_space<hbm>>)
      tpu.yield
    }) : () -> ()
    return
  }
}

module attributes {stable_mosaic.version = 14 : i64} {
  func.func @_encode_kernel(%arg0: i32, %arg1: memref<1024x768xf32, #tpu.memory_space<vmem>>, %arg2: memref<32x512xf32, #tpu.memory_space<vmem>>, %arg3: memref<768x1024xf32, #tpu.memory_space<vmem>>, %arg4: memref<1x1024xf32, #tpu.memory_space<vmem>>, %arg5: memref<1024x1024xf32, #tpu.memory_space<vmem>>, %arg6: memref<1x1024xf32, #tpu.memory_space<vmem>>, %arg7: memref<1024x32xf32, #tpu.memory_space<vmem>>, %arg8: memref<1x32xf32, #tpu.memory_space<vmem>>, %arg9: memref<1024x32xf32, #tpu.memory_space<vmem>>, %arg10: memref<1024x3xi32, #tpu.memory_space<vmem>>) attributes {dimension_semantics = [#tpu.dimension_semantics<arbitrary>], iteration_bounds = array<i64: 4>, scalar_prefetch = 0 : i64, scratch_operands = 0 : i64, tpu.core_type = #tpu.core_type<tc>, window_params = [{transform_indices = @transform_0, window_bounds = array<i64: 1024, 768>}, {pipeline_mode = #tpu.pipeline_mode<synchronous>, transform_indices = @transform_1, window_bounds = array<i64: 32, 512>}, {pipeline_mode = #tpu.pipeline_mode<synchronous>, transform_indices = @transform_2, window_bounds = array<i64: 768, 1024>}, {pipeline_mode = #tpu.pipeline_mode<synchronous>, transform_indices = @transform_3, window_bounds = array<i64: 1, 1024>}, {pipeline_mode = #tpu.pipeline_mode<synchronous>, transform_indices = @transform_4, window_bounds = array<i64: 1024, 1024>}, {pipeline_mode = #tpu.pipeline_mode<synchronous>, transform_indices = @transform_5, window_bounds = array<i64: 1, 1024>}, {pipeline_mode = #tpu.pipeline_mode<synchronous>, transform_indices = @transform_6, window_bounds = array<i64: 1024, 32>}, {pipeline_mode = #tpu.pipeline_mode<synchronous>, transform_indices = @transform_7, window_bounds = array<i64: 1, 32>}, {transform_indices = @transform_8, window_bounds = array<i64: 1024, 32>}, {transform_indices = @transform_9, window_bounds = array<i64: 1024, 3>}]} {
    %get3A = arith.constant 0 : index
    %get3A_0 = arith.constant 0 : index
    %get3A_1 = vector.load %arg1[%get3A, %get3A_0] : memref<1024x768xf32, #tpu.memory_space<vmem>>, vector<1024x768xf32>
    %get3A_2 = arith.constant 0 : index
    %get3A_3 = arith.constant 0 : index
    %get3A_4 = vector.load %arg3[%get3A_2, %get3A_3] : memref<768x1024xf32, #tpu.memory_space<vmem>>, vector<768x1024xf32>
    %dot_general3A = arith.constant dense<0.000000e+00> : vector<1024x1024xf32>
    %dot_general3A_5 = tpu.matmul %get3A_1, %get3A_4, %dot_general3A {dimension_numbers = #tpu.dot_dimension_numbers<[1], [0], [0], [1], [0, 0, 1, 1], [], []>, transpose_lhs_hint = false} : vector<1024x768xf32>, vector<768x1024xf32>, vector<1024x1024xf32> -> vector<1024x1024xf32>
    %get3A_6 = arith.constant 0 : index
    %get3A_7 = arith.constant 0 : index
    %get3A_8 = vector.load %arg4[%get3A_6, %get3A_7] : memref<1x1024xf32, #tpu.memory_space<vmem>>, vector<1x1024xf32>
    %add3A = vector.broadcast %get3A_8 : vector<1x1024xf32> to vector<1024x1024xf32>
    %add3A_9 = arith.addf %dot_general3A_5, %add3A : vector<1024x1024xf32>
    %max3A = arith.constant 0.000000e+00 : f32
    %max3A_10 = vector.broadcast %max3A : f32 to vector<1024x1024xf32>
    %max3A_11 = arith.maximumf %add3A_9, %max3A_10 : vector<1024x1024xf32>
    %get3A_12 = arith.constant 0 : index
    %get3A_13 = arith.constant 0 : index
    %get3A_14 = vector.load %arg5[%get3A_12, %get3A_13] : memref<1024x1024xf32, #tpu.memory_space<vmem>>, vector<1024x1024xf32>
    %dot_general3A_15 = arith.constant dense<0.000000e+00> : vector<1024x1024xf32>
    %dot_general3A_16 = tpu.matmul %max3A_11, %get3A_14, %dot_general3A_15 {dimension_numbers = #tpu.dot_dimension_numbers<[1], [0], [0], [1], [0, 0, 1, 1], [], []>, transpose_lhs_hint = false} : vector<1024x1024xf32>, vector<1024x1024xf32>, vector<1024x1024xf32> -> vector<1024x1024xf32>
    %get3A_17 = arith.constant 0 : index
    %get3A_18 = arith.constant 0 : index
    %get3A_19 = vector.load %arg6[%get3A_17, %get3A_18] : memref<1x1024xf32, #tpu.memory_space<vmem>>, vector<1x1024xf32>
    %add3A_20 = vector.broadcast %get3A_19 : vector<1x1024xf32> to vector<1024x1024xf32>
    %add3A_21 = arith.addf %dot_general3A_16, %add3A_20 : vector<1024x1024xf32>
    %max3A_22 = arith.constant 0.000000e+00 : f32
    %max3A_23 = vector.broadcast %max3A_22 : f32 to vector<1024x1024xf32>
    %max3A_24 = arith.maximumf %add3A_21, %max3A_23 : vector<1024x1024xf32>
    %get3A_25 = arith.constant 0 : index
    %get3A_26 = arith.constant 0 : index
    %get3A_27 = vector.load %arg7[%get3A_25, %get3A_26] : memref<1024x32xf32, #tpu.memory_space<vmem>>, vector<1024x32xf32>
    %dot_general3A_28 = arith.constant dense<0.000000e+00> : vector<1024x32xf32>
    %dot_general3A_29 = tpu.matmul %max3A_24, %get3A_27, %dot_general3A_28 {dimension_numbers = #tpu.dot_dimension_numbers<[1], [0], [0], [1], [0, 0, 1, 1], [], []>, transpose_lhs_hint = false} : vector<1024x1024xf32>, vector<1024x32xf32>, vector<1024x32xf32> -> vector<1024x32xf32>
    %get3A_30 = arith.constant 0 : index
    %get3A_31 = arith.constant 0 : index
    %get3A_32 = vector.load %arg8[%get3A_30, %get3A_31] : memref<1x32xf32, #tpu.memory_space<vmem>>, vector<1x32xf32>
    %add3A_33 = vector.broadcast %get3A_32 : vector<1x32xf32> to vector<1024x32xf32>
    %add3A_34 = arith.addf %dot_general3A_29, %add3A_33 : vector<1024x32xf32>
    %max3A_35 = arith.constant 0.000000e+00 : f32
    %max3A_36 = vector.broadcast %max3A_35 : f32 to vector<1024x32xf32>
    %max3A_37 = arith.maximumf %add3A_34, %max3A_36 : vector<1024x32xf32>
    %swap3A = arith.constant 0 : index
    %swap3A_38 = arith.constant 0 : index
    %swap3A_39 = vector.load %arg9[%swap3A, %swap3A_38] : memref<1024x32xf32, #tpu.memory_space<vmem>>, vector<1024x32xf32>
    tpu.vector_store %arg9[%swap3A, %swap3A_38], %max3A_37 {strides = array<i32>} : memref<1024x32xf32, #tpu.memory_space<vmem>>, vector<1024x32xf32>,
    %get3A_40 = arith.constant 0 : index
    %get3A_41 = arith.constant 0 : index
    %get3A_42 = vector.load %arg2[%get3A_40, %get3A_41] : memref<32x512xf32, #tpu.memory_space<vmem>>, vector<32x512xf32>
    %mul3A = arith.mulf %get3A_42, %get3A_42 : vector<32x512xf32>
    %reduce_sum3A = arith.constant dense<0.000000e+00> : vector<512xf32>
    %reduce_sum3A_43 = vector.multi_reduction <add>, %mul3A, %reduce_sum3A [0] : vector<32x512xf32> to vector<512xf32>
    %broadcast_in_dim3A = vector.shape_cast %reduce_sum3A_43 : vector<512xf32> to vector<1x512xf32>
    %dot_general3A_44 = arith.constant dense<0.000000e+00> : vector<1024x512xf32>
    %dot_general3A_45 = tpu.matmul %max3A_37, %get3A_42, %dot_general3A_44 {dimension_numbers = #tpu.dot_dimension_numbers<[1], [0], [0], [1], [0, 0, 1, 1], [], []>, precision = #tpu.contract_precision<fp32>, transpose_lhs_hint = false} : vector<1024x32xf32>, vector<32x512xf32>, vector<1024x512xf32> -> vector<1024x512xf32>
    %add3A_46 = arith.addf %dot_general3A_45, %dot_general3A_45 : vector<1024x512xf32>
    %sub3A = vector.broadcast %broadcast_in_dim3A : vector<1x512xf32> to vector<1024x512xf32>
    %sub3A_47 = arith.subf %sub3A, %add3A_46 : vector<1024x512xf32>
    %iota3A = tpu.iota {dimensions = array<i32: 1>} : vector<1024x512xi32>
    %reduce_min3A = arith.constant dense<0x7F800000> : vector<1024xf32>
    %reduce_min3A_48 = vector.multi_reduction <minimumf>, %sub3A_47, %reduce_min3A [1] : vector<1024x512xf32> to vector<1024xf32>
    %broadcast_in_dim3A_49 = vector.shape_cast %reduce_min3A_48 : vector<1024xf32> to vector<1024x1xf32>
    %le3A = vector.broadcast %broadcast_in_dim3A_49 : vector<1024x1xf32> to vector<1024x512xf32>
    %le3A_50 = arith.cmpf ole, %sub3A_47, %le3A : vector<1024x512xf32>
    %jit3A = arith.constant 512 : i32
    %broadcast_in_dim3A_51 = vector.broadcast %jit3A : i32 to vector<1024x512xi32>
    %select_n3A = arith.select %le3A_50, %iota3A, %broadcast_in_dim3A_51 : vector<1024x512xi1>, vector<1024x512xi32>
    %reduce_min3A_52 = arith.constant dense<2147483647> : vector<1024xi32>
    %reduce_min3A_53 = vector.multi_reduction <minsi>, %select_n3A, %reduce_min3A_52 [1] : vector<1024x512xi32> to vector<1024xi32>
    %broadcast_in_dim3A_54 = vector.shape_cast %reduce_min3A_53 : vector<1024xi32> to vector<1024x1xi32>
    %swap3A_55 = arith.constant 0 : index
    %swap3A_56 = arith.constant 0 : index
    %swap3A_57 = vector.load %arg10[%swap3A_55, %swap3A_56] : memref<1024x3xi32, #tpu.memory_space<vmem>>, vector<1024x1xi32>
    tpu.vector_store %arg10[%swap3A_55, %swap3A_56], %broadcast_in_dim3A_54 {strides = array<i32>} : memref<1024x3xi32, #tpu.memory_space<vmem>>, vector<1024x1xi32>,
    %eq3A = vector.broadcast %broadcast_in_dim3A_54 : vector<1024x1xi32> to vector<1024x512xi32>
    %eq3A_58 = arith.cmpi eq, %iota3A, %eq3A : vector<1024x512xi32>
    %jit3A_59 = arith.constant 0x7F800000 : f32
    %broadcast_in_dim3A_60 = vector.broadcast %jit3A_59 : f32 to vector<1024x512xf32>
    %select_n3A_61 = arith.select %eq3A_58, %broadcast_in_dim3A_60, %sub3A_47 : vector<1024x512xi1>, vector<1024x512xf32>
    %reduce_min3A_62 = arith.constant dense<0x7F800000> : vector<1024xf32>
    %reduce_min3A_63 = vector.multi_reduction <minimumf>, %select_n3A_61, %reduce_min3A_62 [1] : vector<1024x512xf32> to vector<1024xf32>
    %broadcast_in_dim3A_64 = vector.shape_cast %reduce_min3A_63 : vector<1024xf32> to vector<1024x1xf32>
    %le3A_65 = vector.broadcast %broadcast_in_dim3A_64 : vector<1024x1xf32> to vector<1024x512xf32>
    %le3A_66 = arith.cmpf ole, %select_n3A_61, %le3A_65 : vector<1024x512xf32>
    %jit3A_67 = arith.constant 512 : i32
    %broadcast_in_dim3A_68 = vector.broadcast %jit3A_67 : i32 to vector<1024x512xi32>
    %select_n3A_69 = arith.select %le3A_66, %iota3A, %broadcast_in_dim3A_68 : vector<1024x512xi1>, vector<1024x512xi32>
    %reduce_min3A_70 = arith.constant dense<2147483647> : vector<1024xi32>
    %reduce_min3A_71 = vector.multi_reduction <minsi>, %select_n3A_69, %reduce_min3A_70 [1] : vector<1024x512xi32> to vector<1024xi32>
    %broadcast_in_dim3A_72 = vector.shape_cast %reduce_min3A_71 : vector<1024xi32> to vector<1024x1xi32>
    %swap3A_73 = arith.constant 0 : index
    %swap3A_74 = arith.constant 1 : index
    %swap3A_75 = vector.load %arg10[%swap3A_73, %swap3A_74] : memref<1024x3xi32, #tpu.memory_space<vmem>>, vector<1024x1xi32>
    tpu.vector_store %arg10[%swap3A_73, %swap3A_74], %broadcast_in_dim3A_72 {strides = array<i32>} : memref<1024x3xi32, #tpu.memory_space<vmem>>, vector<1024x1xi32>,
    %eq3A_76 = vector.broadcast %broadcast_in_dim3A_72 : vector<1024x1xi32> to vector<1024x512xi32>
    %eq3A_77 = arith.cmpi eq, %iota3A, %eq3A_76 : vector<1024x512xi32>
    %jit3A_78 = arith.constant 0x7F800000 : f32
    %broadcast_in_dim3A_79 = vector.broadcast %jit3A_78 : f32 to vector<1024x512xf32>
    %select_n3A_80 = arith.select %eq3A_77, %broadcast_in_dim3A_79, %select_n3A_61 : vector<1024x512xi1>, vector<1024x512xf32>
    %reduce_min3A_81 = arith.constant dense<0x7F800000> : vector<1024xf32>
    %reduce_min3A_82 = vector.multi_reduction <minimumf>, %select_n3A_80, %reduce_min3A_81 [1] : vector<1024x512xf32> to vector<1024xf32>
    %broadcast_in_dim3A_83 = vector.shape_cast %reduce_min3A_82 : vector<1024xf32> to vector<1024x1xf32>
    %le3A_84 = vector.broadcast %broadcast_in_dim3A_83 : vector<1024x1xf32> to vector<1024x512xf32>
    %le3A_85 = arith.cmpf ole, %select_n3A_80, %le3A_84 : vector<1024x512xf32>
    %jit3A_86 = arith.constant 512 : i32
    %broadcast_in_dim3A_87 = vector.broadcast %jit3A_86 : i32 to vector<1024x512xi32>
    %select_n3A_88 = arith.select %le3A_85, %iota3A, %broadcast_in_dim3A_87 : vector<1024x512xi1>, vector<1024x512xi32>
    %reduce_min3A_89 = arith.constant dense<2147483647> : vector<1024xi32>
    %reduce_min3A_90 = vector.multi_reduction <minsi>, %select_n3A_88, %reduce_min3A_89 [1] : vector<1024x512xi32> to vector<1024xi32>
    %broadcast_in_dim3A_91 = vector.shape_cast %reduce_min3A_90 : vector<1024xi32> to vector<1024x1xi32>
    %swap3A_92 = arith.constant 0 : index
    %swap3A_93 = arith.constant 2 : index
    %swap3A_94 = vector.load %arg10[%swap3A_92, %swap3A_93] : memref<1024x3xi32, #tpu.memory_space<vmem>>, vector<1024x1xi32>
    tpu.vector_store %arg10[%swap3A_92, %swap3A_93], %broadcast_in_dim3A_91 {strides = array<i32>} : memref<1024x3xi32, #tpu.memory_space<vmem>>, vector<1024x1xi32>,
    return
  }
  func.func @transform_0(%arg0: i32) -> (i32, i32) {
    %c0_i32 = arith.constant 0 : i32
    %c0_i32_0 = arith.constant 0 : i32
    return %arg0, %c0_i32 : i32, i32
  }
  func.func @transform_1(%arg0: i32) -> (i32, i32) {
    %c0_i32 = arith.constant 0 : i32
    %c0_i32_0 = arith.constant 0 : i32
    %c0_i32_1 = arith.constant 0 : i32
    return %c0_i32, %c0_i32_0 : i32, i32
  }
  func.func @transform_2(%arg0: i32) -> (i32, i32) {
    %c0_i32 = arith.constant 0 : i32
    %c0_i32_0 = arith.constant 0 : i32
    %c0_i32_1 = arith.constant 0 : i32
    return %c0_i32, %c0_i32_0 : i32, i32
  }
  func.func @transform_3(%arg0: i32) -> (i32, i32) {
    %c0_i32 = arith.constant 0 : i32
    %c0_i32_0 = arith.constant 0 : i32
    %c0_i32_1 = arith.constant 0 : i32
    return %c0_i32, %c0_i32_0 : i32, i32
  }
  func.func @transform_4(%arg0: i32) -> (i32, i32) {
    %c0_i32 = arith.constant 0 : i32
    %c0_i32_0 = arith.constant 0 : i32
    %c0_i32_1 = arith.constant 0 : i32
    return %c0_i32, %c0_i32_0 : i32, i32
  }
  func.func @transform_5(%arg0: i32) -> (i32, i32) {
    %c0_i32 = arith.constant 0 : i32
    %c0_i32_0 = arith.constant 0 : i32
    %c0_i32_1 = arith.constant 0 : i32
    return %c0_i32, %c0_i32_0 : i32, i32
  }
  func.func @transform_6(%arg0: i32) -> (i32, i32) {
    %c0_i32 = arith.constant 0 : i32
    %c0_i32_0 = arith.constant 0 : i32
    %c0_i32_1 = arith.constant 0 : i32
    return %c0_i32, %c0_i32_0 : i32, i32
  }
  func.func @transform_7(%arg0: i32) -> (i32, i32) {
    %c0_i32 = arith.constant 0 : i32
    %c0_i32_0 = arith.constant 0 : i32
    %c0_i32_1 = arith.constant 0 : i32
    return %c0_i32, %c0_i32_0 : i32, i32
  }
  func.func @transform_8(%arg0: i32) -> (i32, i32) {
    %c0_i32 = arith.constant 0 : i32
    %c0_i32_0 = arith.constant 0 : i32
    return %arg0, %c0_i32 : i32, i32
  }
  func.func @transform_9(%arg0: i32) -> (i32, i32) {
    %c0_i32 = arith.constant 0 : i32
    %c0_i32_0 = arith.constant 0 : i32
    return %arg0, %c0_i32 : i32, i32
  }
}

module attributes {stable_mosaic.version = 14 : i64} {
  func.func @_decode_kernel(%arg0: i32, %arg1: memref<1024x32xf32, #tpu.memory_space<vmem>>, %arg2: memref<1024x3xi32, #tpu.memory_space<vmem>>, %arg3: memref<3072x128xf32, #tpu.memory_space<vmem>>, %arg4: memref<32x1024xf32, #tpu.memory_space<vmem>>, %arg5: memref<1x1024xf32, #tpu.memory_space<vmem>>, %arg6: memref<1024x1024xf32, #tpu.memory_space<vmem>>, %arg7: memref<1x1024xf32, #tpu.memory_space<vmem>>, %arg8: memref<1024x768xf32, #tpu.memory_space<vmem>>, %arg9: memref<1x768xf32, #tpu.memory_space<vmem>>, %arg10: memref<1024x768xf32, #tpu.memory_space<vmem>>, %arg11: memref<1024x32xf32, #tpu.memory_space<vmem>>, %arg12: memref<1x1xf32, #tpu.memory_space<smem>>) attributes {dimension_semantics = [#tpu.dimension_semantics<arbitrary>], iteration_bounds = array<i64: 4>, scalar_prefetch = 0 : i64, scratch_operands = 0 : i64, tpu.core_type = #tpu.core_type<tc>, window_params = [{transform_indices = @transform_0, window_bounds = array<i64: 1024, 32>}, {transform_indices = @transform_1, window_bounds = array<i64: 1024, 3>}, {transform_indices = @transform_2, window_bounds = array<i64: 3072, 128>}, {pipeline_mode = #tpu.pipeline_mode<synchronous>, transform_indices = @transform_3, window_bounds = array<i64: 32, 1024>}, {pipeline_mode = #tpu.pipeline_mode<synchronous>, transform_indices = @transform_4, window_bounds = array<i64: 1, 1024>}, {pipeline_mode = #tpu.pipeline_mode<synchronous>, transform_indices = @transform_5, window_bounds = array<i64: 1024, 1024>}, {pipeline_mode = #tpu.pipeline_mode<synchronous>, transform_indices = @transform_6, window_bounds = array<i64: 1, 1024>}, {pipeline_mode = #tpu.pipeline_mode<synchronous>, transform_indices = @transform_7, window_bounds = array<i64: 1024, 768>}, {pipeline_mode = #tpu.pipeline_mode<synchronous>, transform_indices = @transform_8, window_bounds = array<i64: 1, 768>}, {transform_indices = @transform_9, window_bounds = array<i64: 1024, 768>}, {transform_indices = @transform_10, window_bounds = array<i64: 1024, 32>}, {transform_indices = @transform_11, window_bounds = array<i64: 1, 1>}]} {
    %get3A = arith.constant 0 : index
    %get3A_0 = arith.constant 0 : index
    %get3A_1 = vector.load %arg1[%get3A, %get3A_0] : memref<1024x32xf32, #tpu.memory_space<vmem>>, vector<1024x32xf32>
    %get3A_2 = arith.constant 0 : index
    %get3A_3 = arith.constant 0 : index
    %get3A_4 = vector.load %arg3[%get3A_2, %get3A_3] : memref<3072x128xf32, #tpu.memory_space<vmem>>, vector<1024x32xf32>
    %get3A_5 = arith.constant 0 : index
    %get3A_6 = arith.constant 0 : index
    %get3A_7 = vector.load %arg2[%get3A_5, %get3A_6] : memref<1024x3xi32, #tpu.memory_space<vmem>>, vector<1024x1xi32>
    %sub3A = arith.subf %get3A_1, %get3A_4 : vector<1024x32xf32>
    %mul3A = arith.mulf %sub3A, %sub3A : vector<1024x32xf32>
    %slice3A = vector.extract_strided_slice %mul3A {offsets = [0, 0], sizes = [1024, 8], strides = [1, 1]} : vector<1024x32xf32> to vector<1024x8xf32>
    %slice3A_8 = vector.extract_strided_slice %slice3A {offsets = [0, 0], sizes = [1024, 4], strides = [1, 1]} : vector<1024x8xf32> to vector<1024x4xf32>
    %slice3A_9 = vector.extract_strided_slice %slice3A {offsets = [0, 4], sizes = [1024, 4], strides = [1, 1]} : vector<1024x8xf32> to vector<1024x4xf32>
    %add3A = arith.addf %slice3A_8, %slice3A_9 : vector<1024x4xf32>
    %slice3A_10 = vector.extract_strided_slice %add3A {offsets = [0, 0], sizes = [1024, 2], strides = [1, 1]} : vector<1024x4xf32> to vector<1024x2xf32>
    %slice3A_11 = vector.extract_strided_slice %add3A {offsets = [0, 2], sizes = [1024, 2], strides = [1, 1]} : vector<1024x4xf32> to vector<1024x2xf32>
    %add3A_12 = arith.addf %slice3A_10, %slice3A_11 : vector<1024x2xf32>
    %slice3A_13 = vector.extract_strided_slice %add3A_12 {offsets = [0, 0], sizes = [1024, 1], strides = [1, 1]} : vector<1024x2xf32> to vector<1024x1xf32>
    %slice3A_14 = vector.extract_strided_slice %add3A_12 {offsets = [0, 1], sizes = [1024, 1], strides = [1, 1]} : vector<1024x2xf32> to vector<1024x1xf32>
    %add3A_15 = arith.addf %slice3A_13, %slice3A_14 : vector<1024x1xf32>
    %slice3A_16 = vector.extract_strided_slice %mul3A {offsets = [0, 8], sizes = [1024, 8], strides = [1, 1]} : vector<1024x32xf32> to vector<1024x8xf32>
    %slice3A_17 = vector.extract_strided_slice %slice3A_16 {offsets = [0, 0], sizes = [1024, 4], strides = [1, 1]} : vector<1024x8xf32> to vector<1024x4xf32>
    %slice3A_18 = vector.extract_strided_slice %slice3A_16 {offsets = [0, 4], sizes = [1024, 4], strides = [1, 1]} : vector<1024x8xf32> to vector<1024x4xf32>
    %add3A_19 = arith.addf %slice3A_17, %slice3A_18 : vector<1024x4xf32>
    %slice3A_20 = vector.extract_strided_slice %add3A_19 {offsets = [0, 0], sizes = [1024, 2], strides = [1, 1]} : vector<1024x4xf32> to vector<1024x2xf32>
    %slice3A_21 = vector.extract_strided_slice %add3A_19 {offsets = [0, 2], sizes = [1024, 2], strides = [1, 1]} : vector<1024x4xf32> to vector<1024x2xf32>
    %add3A_22 = arith.addf %slice3A_20, %slice3A_21 : vector<1024x2xf32>
    %slice3A_23 = vector.extract_strided_slice %add3A_22 {offsets = [0, 0], sizes = [1024, 1], strides = [1, 1]} : vector<1024x2xf32> to vector<1024x1xf32>
    %slice3A_24 = vector.extract_strided_slice %add3A_22 {offsets = [0, 1], sizes = [1024, 1], strides = [1, 1]} : vector<1024x2xf32> to vector<1024x1xf32>
    %add3A_25 = arith.addf %slice3A_23, %slice3A_24 : vector<1024x1xf32>
    %add3A_26 = arith.addf %add3A_15, %add3A_25 : vector<1024x1xf32>
    %slice3A_27 = vector.extract_strided_slice %mul3A {offsets = [0, 16], sizes = [1024, 8], strides = [1, 1]} : vector<1024x32xf32> to vector<1024x8xf32>
    %slice3A_28 = vector.extract_strided_slice %slice3A_27 {offsets = [0, 0], sizes = [1024, 4], strides = [1, 1]} : vector<1024x8xf32> to vector<1024x4xf32>
    %slice3A_29 = vector.extract_strided_slice %slice3A_27 {offsets = [0, 4], sizes = [1024, 4], strides = [1, 1]} : vector<1024x8xf32> to vector<1024x4xf32>
    %add3A_30 = arith.addf %slice3A_28, %slice3A_29 : vector<1024x4xf32>
    %slice3A_31 = vector.extract_strided_slice %add3A_30 {offsets = [0, 0], sizes = [1024, 2], strides = [1, 1]} : vector<1024x4xf32> to vector<1024x2xf32>
    %slice3A_32 = vector.extract_strided_slice %add3A_30 {offsets = [0, 2], sizes = [1024, 2], strides = [1, 1]} : vector<1024x4xf32> to vector<1024x2xf32>
    %add3A_33 = arith.addf %slice3A_31, %slice3A_32 : vector<1024x2xf32>
    %slice3A_34 = vector.extract_strided_slice %add3A_33 {offsets = [0, 0], sizes = [1024, 1], strides = [1, 1]} : vector<1024x2xf32> to vector<1024x1xf32>
    %slice3A_35 = vector.extract_strided_slice %add3A_33 {offsets = [0, 1], sizes = [1024, 1], strides = [1, 1]} : vector<1024x2xf32> to vector<1024x1xf32>
    %add3A_36 = arith.addf %slice3A_34, %slice3A_35 : vector<1024x1xf32>
    %add3A_37 = arith.addf %add3A_26, %add3A_36 : vector<1024x1xf32>
    %slice3A_38 = vector.extract_strided_slice %mul3A {offsets = [0, 24], sizes = [1024, 8], strides = [1, 1]} : vector<1024x32xf32> to vector<1024x8xf32>
    %slice3A_39 = vector.extract_strided_slice %slice3A_38 {offsets = [0, 0], sizes = [1024, 4], strides = [1, 1]} : vector<1024x8xf32> to vector<1024x4xf32>
    %slice3A_40 = vector.extract_strided_slice %slice3A_38 {offsets = [0, 4], sizes = [1024, 4], strides = [1, 1]} : vector<1024x8xf32> to vector<1024x4xf32>
    %add3A_41 = arith.addf %slice3A_39, %slice3A_40 : vector<1024x4xf32>
    %slice3A_42 = vector.extract_strided_slice %add3A_41 {offsets = [0, 0], sizes = [1024, 2], strides = [1, 1]} : vector<1024x4xf32> to vector<1024x2xf32>
    %slice3A_43 = vector.extract_strided_slice %add3A_41 {offsets = [0, 2], sizes = [1024, 2], strides = [1, 1]} : vector<1024x4xf32> to vector<1024x2xf32>
    %add3A_44 = arith.addf %slice3A_42, %slice3A_43 : vector<1024x2xf32>
    %slice3A_45 = vector.extract_strided_slice %add3A_44 {offsets = [0, 0], sizes = [1024, 1], strides = [1, 1]} : vector<1024x2xf32> to vector<1024x1xf32>
    %slice3A_46 = vector.extract_strided_slice %add3A_44 {offsets = [0, 1], sizes = [1024, 1], strides = [1, 1]} : vector<1024x2xf32> to vector<1024x1xf32>
    %add3A_47 = arith.addf %slice3A_45, %slice3A_46 : vector<1024x1xf32>
    %add3A_48 = arith.addf %add3A_37, %add3A_47 : vector<1024x1xf32>
    %get3A_49 = arith.constant 1024 : index
    %get3A_50 = arith.constant 0 : index
    %get3A_51 = vector.load %arg3[%get3A_49, %get3A_50] : memref<3072x128xf32, #tpu.memory_space<vmem>>, vector<1024x32xf32>
    %get3A_52 = arith.constant 0 : index
    %get3A_53 = arith.constant 1 : index
    %get3A_54 = vector.load %arg2[%get3A_52, %get3A_53] : memref<1024x3xi32, #tpu.memory_space<vmem>>, vector<1024x1xi32>
    %sub3A_55 = arith.subf %get3A_1, %get3A_51 : vector<1024x32xf32>
    %mul3A_56 = arith.mulf %sub3A_55, %sub3A_55 : vector<1024x32xf32>
    %slice3A_57 = vector.extract_strided_slice %mul3A_56 {offsets = [0, 0], sizes = [1024, 8], strides = [1, 1]} : vector<1024x32xf32> to vector<1024x8xf32>
    %slice3A_58 = vector.extract_strided_slice %slice3A_57 {offsets = [0, 0], sizes = [1024, 4], strides = [1, 1]} : vector<1024x8xf32> to vector<1024x4xf32>
    %slice3A_59 = vector.extract_strided_slice %slice3A_57 {offsets = [0, 4], sizes = [1024, 4], strides = [1, 1]} : vector<1024x8xf32> to vector<1024x4xf32>
    %add3A_60 = arith.addf %slice3A_58, %slice3A_59 : vector<1024x4xf32>
    %slice3A_61 = vector.extract_strided_slice %add3A_60 {offsets = [0, 0], sizes = [1024, 2], strides = [1, 1]} : vector<1024x4xf32> to vector<1024x2xf32>
    %slice3A_62 = vector.extract_strided_slice %add3A_60 {offsets = [0, 2], sizes = [1024, 2], strides = [1, 1]} : vector<1024x4xf32> to vector<1024x2xf32>
    %add3A_63 = arith.addf %slice3A_61, %slice3A_62 : vector<1024x2xf32>
    %slice3A_64 = vector.extract_strided_slice %add3A_63 {offsets = [0, 0], sizes = [1024, 1], strides = [1, 1]} : vector<1024x2xf32> to vector<1024x1xf32>
    %slice3A_65 = vector.extract_strided_slice %add3A_63 {offsets = [0, 1], sizes = [1024, 1], strides = [1, 1]} : vector<1024x2xf32> to vector<1024x1xf32>
    %add3A_66 = arith.addf %slice3A_64, %slice3A_65 : vector<1024x1xf32>
    %slice3A_67 = vector.extract_strided_slice %mul3A_56 {offsets = [0, 8], sizes = [1024, 8], strides = [1, 1]} : vector<1024x32xf32> to vector<1024x8xf32>
    %slice3A_68 = vector.extract_strided_slice %slice3A_67 {offsets = [0, 0], sizes = [1024, 4], strides = [1, 1]} : vector<1024x8xf32> to vector<1024x4xf32>
    %slice3A_69 = vector.extract_strided_slice %slice3A_67 {offsets = [0, 4], sizes = [1024, 4], strides = [1, 1]} : vector<1024x8xf32> to vector<1024x4xf32>
    %add3A_70 = arith.addf %slice3A_68, %slice3A_69 : vector<1024x4xf32>
    %slice3A_71 = vector.extract_strided_slice %add3A_70 {offsets = [0, 0], sizes = [1024, 2], strides = [1, 1]} : vector<1024x4xf32> to vector<1024x2xf32>
    %slice3A_72 = vector.extract_strided_slice %add3A_70 {offsets = [0, 2], sizes = [1024, 2], strides = [1, 1]} : vector<1024x4xf32> to vector<1024x2xf32>
    %add3A_73 = arith.addf %slice3A_71, %slice3A_72 : vector<1024x2xf32>
    %slice3A_74 = vector.extract_strided_slice %add3A_73 {offsets = [0, 0], sizes = [1024, 1], strides = [1, 1]} : vector<1024x2xf32> to vector<1024x1xf32>
    %slice3A_75 = vector.extract_strided_slice %add3A_73 {offsets = [0, 1], sizes = [1024, 1], strides = [1, 1]} : vector<1024x2xf32> to vector<1024x1xf32>
    %add3A_76 = arith.addf %slice3A_74, %slice3A_75 : vector<1024x1xf32>
    %add3A_77 = arith.addf %add3A_66, %add3A_76 : vector<1024x1xf32>
    %slice3A_78 = vector.extract_strided_slice %mul3A_56 {offsets = [0, 16], sizes = [1024, 8], strides = [1, 1]} : vector<1024x32xf32> to vector<1024x8xf32>
    %slice3A_79 = vector.extract_strided_slice %slice3A_78 {offsets = [0, 0], sizes = [1024, 4], strides = [1, 1]} : vector<1024x8xf32> to vector<1024x4xf32>
    %slice3A_80 = vector.extract_strided_slice %slice3A_78 {offsets = [0, 4], sizes = [1024, 4], strides = [1, 1]} : vector<1024x8xf32> to vector<1024x4xf32>
    %add3A_81 = arith.addf %slice3A_79, %slice3A_80 : vector<1024x4xf32>
    %slice3A_82 = vector.extract_strided_slice %add3A_81 {offsets = [0, 0], sizes = [1024, 2], strides = [1, 1]} : vector<1024x4xf32> to vector<1024x2xf32>
    %slice3A_83 = vector.extract_strided_slice %add3A_81 {offsets = [0, 2], sizes = [1024, 2], strides = [1, 1]} : vector<1024x4xf32> to vector<1024x2xf32>
    %add3A_84 = arith.addf %slice3A_82, %slice3A_83 : vector<1024x2xf32>
    %slice3A_85 = vector.extract_strided_slice %add3A_84 {offsets = [0, 0], sizes = [1024, 1], strides = [1, 1]} : vector<1024x2xf32> to vector<1024x1xf32>
    %slice3A_86 = vector.extract_strided_slice %add3A_84 {offsets = [0, 1], sizes = [1024, 1], strides = [1, 1]} : vector<1024x2xf32> to vector<1024x1xf32>
    %add3A_87 = arith.addf %slice3A_85, %slice3A_86 : vector<1024x1xf32>
    %add3A_88 = arith.addf %add3A_77, %add3A_87 : vector<1024x1xf32>
    %slice3A_89 = vector.extract_strided_slice %mul3A_56 {offsets = [0, 24], sizes = [1024, 8], strides = [1, 1]} : vector<1024x32xf32> to vector<1024x8xf32>
    %slice3A_90 = vector.extract_strided_slice %slice3A_89 {offsets = [0, 0], sizes = [1024, 4], strides = [1, 1]} : vector<1024x8xf32> to vector<1024x4xf32>
    %slice3A_91 = vector.extract_strided_slice %slice3A_89 {offsets = [0, 4], sizes = [1024, 4], strides = [1, 1]} : vector<1024x8xf32> to vector<1024x4xf32>
    %add3A_92 = arith.addf %slice3A_90, %slice3A_91 : vector<1024x4xf32>
    %slice3A_93 = vector.extract_strided_slice %add3A_92 {offsets = [0, 0], sizes = [1024, 2], strides = [1, 1]} : vector<1024x4xf32> to vector<1024x2xf32>
    %slice3A_94 = vector.extract_strided_slice %add3A_92 {offsets = [0, 2], sizes = [1024, 2], strides = [1, 1]} : vector<1024x4xf32> to vector<1024x2xf32>
    %add3A_95 = arith.addf %slice3A_93, %slice3A_94 : vector<1024x2xf32>
    %slice3A_96 = vector.extract_strided_slice %add3A_95 {offsets = [0, 0], sizes = [1024, 1], strides = [1, 1]} : vector<1024x2xf32> to vector<1024x1xf32>
    %slice3A_97 = vector.extract_strided_slice %add3A_95 {offsets = [0, 1], sizes = [1024, 1], strides = [1, 1]} : vector<1024x2xf32> to vector<1024x1xf32>
    %add3A_98 = arith.addf %slice3A_96, %slice3A_97 : vector<1024x1xf32>
    %add3A_99 = arith.addf %add3A_88, %add3A_98 : vector<1024x1xf32>
    %lt3A = arith.cmpf olt, %add3A_99, %add3A_48 : vector<1024x1xf32>
    %eq3A = arith.cmpf oeq, %add3A_99, %add3A_48 : vector<1024x1xf32>
    %lt3A_100 = arith.cmpi slt, %get3A_54, %get3A_7 : vector<1024x1xi32>
    %and3A = arith.andi %eq3A, %lt3A_100 : vector<1024x1xi1>
    %or3A = arith.ori %lt3A, %and3A : vector<1024x1xi1>
    %select_n3A = arith.select %or3A, %add3A_99, %add3A_48 : vector<1024x1xi1>, vector<1024x1xf32>
    %select_n3A_101 = arith.select %or3A, %get3A_54, %get3A_7 : vector<1024x1xi1>, vector<1024x1xi32>
    %broadcast_in_dim3A = vector.shape_cast %or3A : vector<1024x1xi1> to vector<1024x1xi1>
    %broadcast_in_dim3A_102 = vector.broadcast %broadcast_in_dim3A : vector<1024x1xi1> to vector<1024x32xi1>
    %select_n3A_103 = arith.select %broadcast_in_dim3A_102, %get3A_51, %get3A_4 : vector<1024x32xi1>, vector<1024x32xf32>
    %get3A_104 = arith.constant 2048 : index
    %get3A_105 = arith.constant 0 : index
    %get3A_106 = vector.load %arg3[%get3A_104, %get3A_105] : memref<3072x128xf32, #tpu.memory_space<vmem>>, vector<1024x32xf32>
    %get3A_107 = arith.constant 0 : index
    %get3A_108 = arith.constant 2 : index
    %get3A_109 = vector.load %arg2[%get3A_107, %get3A_108] : memref<1024x3xi32, #tpu.memory_space<vmem>>, vector<1024x1xi32>
    %sub3A_110 = arith.subf %get3A_1, %get3A_106 : vector<1024x32xf32>
    %mul3A_111 = arith.mulf %sub3A_110, %sub3A_110 : vector<1024x32xf32>
    %slice3A_112 = vector.extract_strided_slice %mul3A_111 {offsets = [0, 0], sizes = [1024, 8], strides = [1, 1]} : vector<1024x32xf32> to vector<1024x8xf32>
    %slice3A_113 = vector.extract_strided_slice %slice3A_112 {offsets = [0, 0], sizes = [1024, 4], strides = [1, 1]} : vector<1024x8xf32> to vector<1024x4xf32>
    %slice3A_114 = vector.extract_strided_slice %slice3A_112 {offsets = [0, 4], sizes = [1024, 4], strides = [1, 1]} : vector<1024x8xf32> to vector<1024x4xf32>
    %add3A_115 = arith.addf %slice3A_113, %slice3A_114 : vector<1024x4xf32>
    %slice3A_116 = vector.extract_strided_slice %add3A_115 {offsets = [0, 0], sizes = [1024, 2], strides = [1, 1]} : vector<1024x4xf32> to vector<1024x2xf32>
    %slice3A_117 = vector.extract_strided_slice %add3A_115 {offsets = [0, 2], sizes = [1024, 2], strides = [1, 1]} : vector<1024x4xf32> to vector<1024x2xf32>
    %add3A_118 = arith.addf %slice3A_116, %slice3A_117 : vector<1024x2xf32>
    %slice3A_119 = vector.extract_strided_slice %add3A_118 {offsets = [0, 0], sizes = [1024, 1], strides = [1, 1]} : vector<1024x2xf32> to vector<1024x1xf32>
    %slice3A_120 = vector.extract_strided_slice %add3A_118 {offsets = [0, 1], sizes = [1024, 1], strides = [1, 1]} : vector<1024x2xf32> to vector<1024x1xf32>
    %add3A_121 = arith.addf %slice3A_119, %slice3A_120 : vector<1024x1xf32>
    %slice3A_122 = vector.extract_strided_slice %mul3A_111 {offsets = [0, 8], sizes = [1024, 8], strides = [1, 1]} : vector<1024x32xf32> to vector<1024x8xf32>
    %slice3A_123 = vector.extract_strided_slice %slice3A_122 {offsets = [0, 0], sizes = [1024, 4], strides = [1, 1]} : vector<1024x8xf32> to vector<1024x4xf32>
    %slice3A_124 = vector.extract_strided_slice %slice3A_122 {offsets = [0, 4], sizes = [1024, 4], strides = [1, 1]} : vector<1024x8xf32> to vector<1024x4xf32>
    %add3A_125 = arith.addf %slice3A_123, %slice3A_124 : vector<1024x4xf32>
    %slice3A_126 = vector.extract_strided_slice %add3A_125 {offsets = [0, 0], sizes = [1024, 2], strides = [1, 1]} : vector<1024x4xf32> to vector<1024x2xf32>
    %slice3A_127 = vector.extract_strided_slice %add3A_125 {offsets = [0, 2], sizes = [1024, 2], strides = [1, 1]} : vector<1024x4xf32> to vector<1024x2xf32>
    %add3A_128 = arith.addf %slice3A_126, %slice3A_127 : vector<1024x2xf32>
    %slice3A_129 = vector.extract_strided_slice %add3A_128 {offsets = [0, 0], sizes = [1024, 1], strides = [1, 1]} : vector<1024x2xf32> to vector<1024x1xf32>
    %slice3A_130 = vector.extract_strided_slice %add3A_128 {offsets = [0, 1], sizes = [1024, 1], strides = [1, 1]} : vector<1024x2xf32> to vector<1024x1xf32>
    %add3A_131 = arith.addf %slice3A_129, %slice3A_130 : vector<1024x1xf32>
    %add3A_132 = arith.addf %add3A_121, %add3A_131 : vector<1024x1xf32>
    %slice3A_133 = vector.extract_strided_slice %mul3A_111 {offsets = [0, 16], sizes = [1024, 8], strides = [1, 1]} : vector<1024x32xf32> to vector<1024x8xf32>
    %slice3A_134 = vector.extract_strided_slice %slice3A_133 {offsets = [0, 0], sizes = [1024, 4], strides = [1, 1]} : vector<1024x8xf32> to vector<1024x4xf32>
    %slice3A_135 = vector.extract_strided_slice %slice3A_133 {offsets = [0, 4], sizes = [1024, 4], strides = [1, 1]} : vector<1024x8xf32> to vector<1024x4xf32>
    %add3A_136 = arith.addf %slice3A_134, %slice3A_135 : vector<1024x4xf32>
    %slice3A_137 = vector.extract_strided_slice %add3A_136 {offsets = [0, 0], sizes = [1024, 2], strides = [1, 1]} : vector<1024x4xf32> to vector<1024x2xf32>
    %slice3A_138 = vector.extract_strided_slice %add3A_136 {offsets = [0, 2], sizes = [1024, 2], strides = [1, 1]} : vector<1024x4xf32> to vector<1024x2xf32>
    %add3A_139 = arith.addf %slice3A_137, %slice3A_138 : vector<1024x2xf32>
    %slice3A_140 = vector.extract_strided_slice %add3A_139 {offsets = [0, 0], sizes = [1024, 1], strides = [1, 1]} : vector<1024x2xf32> to vector<1024x1xf32>
    %slice3A_141 = vector.extract_strided_slice %add3A_139 {offsets = [0, 1], sizes = [1024, 1], strides = [1, 1]} : vector<1024x2xf32> to vector<1024x1xf32>
    %add3A_142 = arith.addf %slice3A_140, %slice3A_141 : vector<1024x1xf32>
    %add3A_143 = arith.addf %add3A_132, %add3A_142 : vector<1024x1xf32>
    %slice3A_144 = vector.extract_strided_slice %mul3A_111 {offsets = [0, 24], sizes = [1024, 8], strides = [1, 1]} : vector<1024x32xf32> to vector<1024x8xf32>
    %slice3A_145 = vector.extract_strided_slice %slice3A_144 {offsets = [0, 0], sizes = [1024, 4], strides = [1, 1]} : vector<1024x8xf32> to vector<1024x4xf32>
    %slice3A_146 = vector.extract_strided_slice %slice3A_144 {offsets = [0, 4], sizes = [1024, 4], strides = [1, 1]} : vector<1024x8xf32> to vector<1024x4xf32>
    %add3A_147 = arith.addf %slice3A_145, %slice3A_146 : vector<1024x4xf32>
    %slice3A_148 = vector.extract_strided_slice %add3A_147 {offsets = [0, 0], sizes = [1024, 2], strides = [1, 1]} : vector<1024x4xf32> to vector<1024x2xf32>
    %slice3A_149 = vector.extract_strided_slice %add3A_147 {offsets = [0, 2], sizes = [1024, 2], strides = [1, 1]} : vector<1024x4xf32> to vector<1024x2xf32>
    %add3A_150 = arith.addf %slice3A_148, %slice3A_149 : vector<1024x2xf32>
    %slice3A_151 = vector.extract_strided_slice %add3A_150 {offsets = [0, 0], sizes = [1024, 1], strides = [1, 1]} : vector<1024x2xf32> to vector<1024x1xf32>
    %slice3A_152 = vector.extract_strided_slice %add3A_150 {offsets = [0, 1], sizes = [1024, 1], strides = [1, 1]} : vector<1024x2xf32> to vector<1024x1xf32>
    %add3A_153 = arith.addf %slice3A_151, %slice3A_152 : vector<1024x1xf32>
    %add3A_154 = arith.addf %add3A_143, %add3A_153 : vector<1024x1xf32>
    %lt3A_155 = arith.cmpf olt, %add3A_154, %select_n3A : vector<1024x1xf32>
    %eq3A_156 = arith.cmpf oeq, %add3A_154, %select_n3A : vector<1024x1xf32>
    %lt3A_157 = arith.cmpi slt, %get3A_109, %select_n3A_101 : vector<1024x1xi32>
    %and3A_158 = arith.andi %eq3A_156, %lt3A_157 : vector<1024x1xi1>
    %or3A_159 = arith.ori %lt3A_155, %and3A_158 : vector<1024x1xi1>
    %broadcast_in_dim3A_160 = vector.shape_cast %or3A_159 : vector<1024x1xi1> to vector<1024x1xi1>
    %broadcast_in_dim3A_161 = vector.broadcast %broadcast_in_dim3A_160 : vector<1024x1xi1> to vector<1024x32xi1>
    %select_n3A_162 = arith.select %broadcast_in_dim3A_161, %get3A_106, %select_n3A_103 : vector<1024x32xi1>, vector<1024x32xf32>
    %sub3A_163 = arith.subf %select_n3A_162, %get3A_1 : vector<1024x32xf32>
    %mul3A_164 = arith.mulf %sub3A_163, %sub3A_163 : vector<1024x32xf32>
    %reduce_sum3A = vector.shape_cast %mul3A_164 : vector<1024x32xf32> to vector<1x1024x32xf32>
    %reduce_sum3A_165 = arith.constant dense<0.000000e+00> : vector<1xf32>
    %reduce_sum3A_166 = vector.multi_reduction <add>, %reduce_sum3A, %reduce_sum3A_165 [1, 2] : vector<1x1024x32xf32> to vector<1xf32>
    %reduce_sum3A_167 = vector.shape_cast %reduce_sum3A_166 : vector<1xf32> to vector<1x1x1xf32>
    %reduce_sum3A_168 = vector.extract %reduce_sum3A_167[0, 0, 0] : f32 from vector<1x1x1xf32>
    %eq3A_169 = arith.constant 0 : i32
    %eq3A_170 = arith.cmpi eq, %arg0, %eq3A_169 : i32
    %convert_element_type3A = arith.extui %eq3A_170 : i1 to i32
    %cond3A = arith.constant 0 : i32
    %cond3A_171 = arith.cmpi ne, %convert_element_type3A, %cond3A : i32
    scf.if %cond3A_171 {
      %swap3A_224 = arith.constant 0.000000e+00 : f32
      %swap3A_225 = arith.constant 0 : index
      %swap3A_226 = arith.constant 0 : index
      %swap3A_227 = memref.load %arg12[%swap3A_225, %swap3A_226] : memref<1x1xf32, #tpu.memory_space<smem>>
      memref.store %swap3A_224, %arg12[%swap3A_225, %swap3A_226] : memref<1x1xf32, #tpu.memory_space<smem>>
    } else {
    }
    %get3A_172 = arith.constant 0 : index
    %get3A_173 = arith.constant 0 : index
    %get3A_174 = memref.load %arg12[%get3A_172, %get3A_173] : memref<1x1xf32, #tpu.memory_space<smem>>
    %add3A_175 = arith.addf %get3A_174, %reduce_sum3A_168 : f32
    %swap3A = arith.constant 0 : index
    %swap3A_176 = arith.constant 0 : index
    %swap3A_177 = memref.load %arg12[%swap3A, %swap3A_176] : memref<1x1xf32, #tpu.memory_space<smem>>
    memref.store %add3A_175, %arg12[%swap3A, %swap3A_176] : memref<1x1xf32, #tpu.memory_space<smem>>
    %add3A_178 = arith.addf %get3A_1, %sub3A_163 : vector<1024x32xf32>
    %get3A_179 = arith.constant 0 : index
    %get3A_180 = arith.constant 0 : index
    %get3A_181 = vector.load %arg4[%get3A_179, %get3A_180] : memref<32x1024xf32, #tpu.memory_space<vmem>>, vector<32x1024xf32>
    %dot_general3A = arith.constant dense<0.000000e+00> : vector<1024x1024xf32>
    %dot_general3A_182 = tpu.matmul %add3A_178, %get3A_181, %dot_general3A {dimension_numbers = #tpu.dot_dimension_numbers<[1], [0], [0], [1], [0, 0, 1, 1], [], []>, transpose_lhs_hint = false} : vector<1024x32xf32>, vector<32x1024xf32>, vector<1024x1024xf32> -> vector<1024x1024xf32>
    %get3A_183 = arith.constant 0 : index
    %get3A_184 = arith.constant 0 : index
    %get3A_185 = vector.load %arg5[%get3A_183, %get3A_184] : memref<1x1024xf32, #tpu.memory_space<vmem>>, vector<1x1024xf32>
    %add3A_186 = vector.broadcast %get3A_185 : vector<1x1024xf32> to vector<1024x1024xf32>
    %add3A_187 = arith.addf %dot_general3A_182, %add3A_186 : vector<1024x1024xf32>
    %max3A = arith.constant 0.000000e+00 : f32
    %max3A_188 = vector.broadcast %max3A : f32 to vector<1024x1024xf32>
    %max3A_189 = arith.maximumf %add3A_187, %max3A_188 : vector<1024x1024xf32>
    %get3A_190 = arith.constant 0 : index
    %get3A_191 = arith.constant 0 : index
    %get3A_192 = vector.load %arg6[%get3A_190, %get3A_191] : memref<1024x1024xf32, #tpu.memory_space<vmem>>, vector<1024x1024xf32>
    %dot_general3A_193 = arith.constant dense<0.000000e+00> : vector<1024x1024xf32>
    %dot_general3A_194 = tpu.matmul %max3A_189, %get3A_192, %dot_general3A_193 {dimension_numbers = #tpu.dot_dimension_numbers<[1], [0], [0], [1], [0, 0, 1, 1], [], []>, transpose_lhs_hint = false} : vector<1024x1024xf32>, vector<1024x1024xf32>, vector<1024x1024xf32> -> vector<1024x1024xf32>
    %get3A_195 = arith.constant 0 : index
    %get3A_196 = arith.constant 0 : index
    %get3A_197 = vector.load %arg7[%get3A_195, %get3A_196] : memref<1x1024xf32, #tpu.memory_space<vmem>>, vector<1x1024xf32>
    %add3A_198 = vector.broadcast %get3A_197 : vector<1x1024xf32> to vector<1024x1024xf32>
    %add3A_199 = arith.addf %dot_general3A_194, %add3A_198 : vector<1024x1024xf32>
    %max3A_200 = arith.constant 0.000000e+00 : f32
    %max3A_201 = vector.broadcast %max3A_200 : f32 to vector<1024x1024xf32>
    %max3A_202 = arith.maximumf %add3A_199, %max3A_201 : vector<1024x1024xf32>
    %get3A_203 = arith.constant 0 : index
    %get3A_204 = arith.constant 0 : index
    %get3A_205 = vector.load %arg8[%get3A_203, %get3A_204] : memref<1024x768xf32, #tpu.memory_space<vmem>>, vector<1024x768xf32>
    %dot_general3A_206 = arith.constant dense<0.000000e+00> : vector<1024x768xf32>
    %dot_general3A_207 = tpu.matmul %max3A_202, %get3A_205, %dot_general3A_206 {dimension_numbers = #tpu.dot_dimension_numbers<[1], [0], [0], [1], [0, 0, 1, 1], [], []>, transpose_lhs_hint = false} : vector<1024x1024xf32>, vector<1024x768xf32>, vector<1024x768xf32> -> vector<1024x768xf32>
    %get3A_208 = arith.constant 0 : index
    %get3A_209 = arith.constant 0 : index
    %get3A_210 = vector.load %arg9[%get3A_208, %get3A_209] : memref<1x768xf32, #tpu.memory_space<vmem>>, vector<1x768xf32>
    %add3A_211 = vector.broadcast %get3A_210 : vector<1x768xf32> to vector<1024x768xf32>
    %add3A_212 = arith.addf %dot_general3A_207, %add3A_211 : vector<1024x768xf32>
    %logistic3A = arith.negf %add3A_212 : vector<1024x768xf32>
    %logistic3A_213 = math.exp %logistic3A : vector<1024x768xf32>
    %logistic3A_214 = arith.constant 1.000000e+00 : f32
    %logistic3A_215 = vector.broadcast %logistic3A_214 : f32 to vector<1024x768xf32>
    %logistic3A_216 = arith.addf %logistic3A_215, %logistic3A_213 : vector<1024x768xf32>
    %logistic3A_217 = arith.divf %logistic3A_215, %logistic3A_216 : vector<1024x768xf32>
    %swap3A_218 = arith.constant 0 : index
    %swap3A_219 = arith.constant 0 : index
    %swap3A_220 = vector.load %arg10[%swap3A_218, %swap3A_219] : memref<1024x768xf32, #tpu.memory_space<vmem>>, vector<1024x768xf32>
    tpu.vector_store %arg10[%swap3A_218, %swap3A_219], %logistic3A_217 {strides = array<i32>} : memref<1024x768xf32, #tpu.memory_space<vmem>>, vector<1024x768xf32>,
    %swap3A_221 = arith.constant 0 : index
    %swap3A_222 = arith.constant 0 : index
    %swap3A_223 = vector.load %arg11[%swap3A_221, %swap3A_222] : memref<1024x32xf32, #tpu.memory_space<vmem>>, vector<1024x32xf32>
    tpu.vector_store %arg11[%swap3A_221, %swap3A_222], %add3A_178 {strides = array<i32>} : memref<1024x32xf32, #tpu.memory_space<vmem>>, vector<1024x32xf32>,
    return
  }
  func.func @transform_0(%arg0: i32) -> (i32, i32) {
    %c0_i32 = arith.constant 0 : i32
    %c0_i32_0 = arith.constant 0 : i32
    return %arg0, %c0_i32 : i32, i32
  }
  func.func @transform_1(%arg0: i32) -> (i32, i32) {
    %c0_i32 = arith.constant 0 : i32
    %c0_i32_0 = arith.constant 0 : i32
    return %arg0, %c0_i32 : i32, i32
  }
  func.func @transform_2(%arg0: i32) -> (i32, i32) {
    %c0_i32 = arith.constant 0 : i32
    %c0_i32_0 = arith.constant 0 : i32
    return %arg0, %c0_i32 : i32, i32
  }
  func.func @transform_3(%arg0: i32) -> (i32, i32) {
    %c0_i32 = arith.constant 0 : i32
    %c0_i32_0 = arith.constant 0 : i32
    %c0_i32_1 = arith.constant 0 : i32
    return %c0_i32, %c0_i32_0 : i32, i32
  }
  func.func @transform_4(%arg0: i32) -> (i32, i32) {
    %c0_i32 = arith.constant 0 : i32
    %c0_i32_0 = arith.constant 0 : i32
    %c0_i32_1 = arith.constant 0 : i32
    return %c0_i32, %c0_i32_0 : i32, i32
  }
  func.func @transform_5(%arg0: i32) -> (i32, i32) {
    %c0_i32 = arith.constant 0 : i32
    %c0_i32_0 = arith.constant 0 : i32
    %c0_i32_1 = arith.constant 0 : i32
    return %c0_i32, %c0_i32_0 : i32, i32
  }
  func.func @transform_6(%arg0: i32) -> (i32, i32) {
    %c0_i32 = arith.constant 0 : i32
    %c0_i32_0 = arith.constant 0 : i32
    %c0_i32_1 = arith.constant 0 : i32
    return %c0_i32, %c0_i32_0 : i32, i32
  }
  func.func @transform_7(%arg0: i32) -> (i32, i32) {
    %c0_i32 = arith.constant 0 : i32
    %c0_i32_0 = arith.constant 0 : i32
    %c0_i32_1 = arith.constant 0 : i32
    return %c0_i32, %c0_i32_0 : i32, i32
  }
  func.func @transform_8(%arg0: i32) -> (i32, i32) {
    %c0_i32 = arith.constant 0 : i32
    %c0_i32_0 = arith.constant 0 : i32
    %c0_i32_1 = arith.constant 0 : i32
    return %c0_i32, %c0_i32_0 : i32, i32
  }
  func.func @transform_9(%arg0: i32) -> (i32, i32) {
    %c0_i32 = arith.constant 0 : i32
    %c0_i32_0 = arith.constant 0 : i32
    return %arg0, %c0_i32 : i32, i32
  }
  func.func @transform_10(%arg0: i32) -> (i32, i32) {
    %c0_i32 = arith.constant 0 : i32
    %c0_i32_0 = arith.constant 0 : i32
    return %arg0, %c0_i32 : i32, i32
  }
  func.func @transform_11(%arg0: i32) -> (i32, i32) {
    %c0_i32 = arith.constant 0 : i32
    %c0_i32_0 = arith.constant 0 : i32
    %c0_i32_1 = arith.constant 0 : i32
    return %c0_i32, %c0_i32_0 : i32, i32
  }
}

</mosaic_0001>

<sc_bundles>
// kernel: kernel.5.cloned.1.call-start
scs
__scs_entry_jumppad:
0x0: {  	(pc) =	sbr.rel $0x88, $3  }
0x1: {  	(tag) =	ssettag $0x0;
	lr =	simm.s32 $0x1  }
0x2: {  	[smem:$0x3F93] =	sst lr;
	_ =	strace $0xD0000000  }
0x3: {  	_ = 	snop  }
0x4: {  	_ = 	snop  }
0x5: {  	_ = 	snop  }
0x6: {  	_ = 	snop  }
0x7: {  	_ = 	snop  }
__scs_overlays_trampoline_lowered:
0x8: {  	[smem:$0x3FA2] =	sst s0  }
0x9: {  	[smem:$0x3FA3] =	sst s1  }
0xa: {  	[smem:$0x3FA4] =	sst s2  }
0xb: {  	[smem:$0x3FA5] =	sst s3  }
0xc: {  	[smem:$0x3FA6] =	sst s4  }
0xd: {  	[smem:$0x3FA7] =	sst s5  }
0xe: {  	[smem:$0x3FA8] =	sst s6  }
0xf: {  	[smem:$0x3FA9] =	sst s7  }
0x10: {  	[smem:$0x3FAA] =	sst s8  }
0x11: {  	[smem:$0x3FAB] =	sst s9;
	s0 =	simm.s32 @!p0 $0x0  }
0x12: {  	s1 =	sld [smem:$0x3F91];
	s0 =	simm.s32 @p0 $0x1  }
0x13: {  	[smem:$0x3FAC] =	sst s0;
	s0 =	simm.s32 @!p1 $0x0  }
0x14: {  	s2 =	sld [smem:$0x3F90];
	s0 =	simm.s32 @p1 $0x1  }
0x15: {  	[smem:$0x3FAD] =	sst s0;
	s0 =	simm.s32 @!p2 $0x0  }
0x16: {  	s3 =	sld [smem:$0x3FDB];
	s0 =	simm.s32 @p2 $0x1  }
0x17: {  	s4 =	simm.s32 $0x1BF5;
	[smem:$0x3FAF] =	sst s0  }
0x18: {  	s0 =	sld [smem:$0x3F92];
	_ =	swait.ge [sflag:s4], $0x0  }
0x19: {  	s7 =	sld [smem:$0x3F93]  }
0x1a: {  	s8 =	sadd.s32 $0xFFFFE003, lr  }
0x1b: {  	s9 =	sadd.s32 $0xFFFFFEF7, lr;
	s5 =	simm.s32 $0xFFFFFFFF;
	p2 =	slt.u32 s8, $0xFFFFF086  }
0x1c: {  	p1 =	slt.u32 s9, $0xF7A;
	s5 =	simm.s32 @!p2 $0x0  }
0x1d: {  	s5 =	simm.s32 @p1 $0x1;
	p0 =	seq.s32 s7, s2  }
0x1e: {  	s7 =	smul.u32 @!p0 $0xF7A, s2;
	p2 =	seq.s32 @!p0 s5, $0x0  }
0x1f: {  	s9 =	smul.u32 $0xF7A, s1;
	s8 =	simm.s32 @!p0 $0x1BF5;
	p2 =	por !p2, p0  }
0x20: {  	[sflag:s8] =	ssyncset.s32 @!p0 $0xFFFFF086;
	s6 =	sadd.s32 @!p0 s3, s7;
	s7 =	simm.s32 @!p0 $0x108  }
0x21: {  	s3 =	sadd.s32 s3, s9;
	s6 =	sadd.s32 @!p0 $0x88, s6;
	s7 =	simm.s32 @p2 $0x1082  }
0x22: {  	[simem:s7], [sflag:s8] =	dma.local @!p0 [hbm:s6], $0xF7A  }
0x23: {  	s9 =	sor.u32 $0xD0000000, s2;
	s6 =	simm.s32 $0x108;
	_ =	swait.ge @!p0 [sflag:s8], $0x0  }
0x24: {  	s3 =	sadd.s32 $0x88, s3;
	s6 =	simm.s32 @!p1 $0x1082;
	[sflag:s4] =	ssyncset.s32 $0xFFFFF086  }
0x25: {  	[simem:s6], [sflag:s4] =	dma.local [hbm:s3], $0xF7A  }
0x26: {  	[smem:$0x3F93] =	sst s1;
	(tag) =	ssettag s2;
	_ =	strace s9  }
0x27: {  	s1 =	sld [smem:$0x3FA3]  }
0x28: {  	s2 =	sld [smem:$0x3FA4]  }
0x29: {  	s4 =	sld [smem:$0x3FA6]  }
0x2a: {  	p0 =	seq.s32 s5, $0x0;
	s5 =	sld [smem:$0x3FA7]  }
0x2b: {  	s6 =	sld [smem:$0x3FA8]  }
0x2c: {  	s7 =	sld [smem:$0x3FA9]  }
0x2d: {  	s3 =	simm.s32 $0x108;
	s8 =	sld [smem:$0x3FAA]  }
0x2e: {  	s3 =	simm.s32 @!p0 $0x1082;
	s9 =	sld [smem:$0x3FAB]  }
0x2f: {  	lr =	sadd.s32 s0, s3;
	s0 =	sld [smem:$0x3FA2]  }
0x30: {  	s3 =	sld [smem:$0x3FA5]  }
0x31: {  	[smem:$0x3FAE] =	sst s10  }
0x32: {  	s10 =	sld [smem:$0x3FAC];
	_ =	sdelay $0x3  }
0x33: {  	p0 =	seq.s32 s10, $0x1;
	s10 =	sld [smem:$0x3FAE];
	_ =	sdelay $0x3  }
0x34: {  	[smem:$0x3FAE] =	sst s10  }
0x35: {  	s10 =	sld [smem:$0x3FAD];
	_ =	sdelay $0x3  }
0x36: {  	p1 =	seq.s32 s10, $0x1;
	s10 =	sld [smem:$0x3FAE];
	_ =	sdelay $0x3  }
0x37: {  	[smem:$0x3FAE] =	sst s10  }
0x38: {  	s10 =	sld [smem:$0x3FAF]  }
0x39: {  	_ = 	snop;
	(pc) =	sbr.ind lr, $3  }
0x3a: {  	_ = 	snop  }
0x3b: {  	_ = 	snop  }
0x3c: {  	p2 =	seq.s32 s10, $0x1;
	s10 =	sld [smem:$0x3FAE]  }
0x3d: {  	_ =	shalt  }
0x3e: {  	_ =	shalt  }
0x3f: {  	_ =	shalt  }
0x40: {  	_ =	shalt  }
0x41: {  	_ =	shalt  }
0x42: {  	_ =	shalt  }
0x43: {  	_ =	shalt  }
0x44: {  	_ =	shalt  }
0x45: {  	_ =	shalt  }
0x46: {  	_ =	shalt  }
0x47: {  	_ =	shalt  }
0x48: {  	_ =	shalt  }
0x49: {  	_ =	shalt  }
0x4a: {  	_ =	shalt  }
0x4b: {  	_ =	shalt  }
0x4c: {  	_ =	shalt  }
0x4d: {  	_ =	shalt  }
0x4e: {  	_ =	shalt  }
0x4f: {  	_ =	shalt  }
0x50: {  	_ =	shalt  }
0x51: {  	_ =	shalt  }
0x52: {  	_ =	shalt  }
0x53: {  	_ =	shalt  }
0x54: {  	_ =	shalt  }
0x55: {  	_ =	shalt  }
0x56: {  	_ =	shalt  }
0x57: {  	_ =	shalt  }
0x58: {  	_ =	shalt  }
0x59: {  	_ =	shalt  }
0x5a: {  	_ =	shalt  }
0x5b: {  	_ =	shalt  }
0x5c: {  	_ =	shalt  }
0x5d: {  	_ =	shalt  }
0x5e: {  	_ =	shalt  }
0x5f: {  	_ =	shalt  }
0x60: {  	_ =	shalt  }
0x61: {  	_ =	shalt  }
0x62: {  	_ =	shalt  }
0x63: {  	_ =	shalt  }
0x64: {  	_ =	shalt  }
0x65: {  	_ =	shalt  }
0x66: {  	_ =	shalt  }
0x67: {  	_ =	shalt  }
0x68: {  	_ =	shalt  }
0x69: {  	_ =	shalt  }
0x6a: {  	_ =	shalt  }
0x6b: {  	_ =	shalt  }
0x6c: {  	_ =	shalt  }
0x6d: {  	_ =	shalt  }
0x6e: {  	_ =	shalt  }
0x6f: {  	_ =	shalt  }
0x70: {  	_ =	shalt  }
0x71: {  	_ =	shalt  }
0x72: {  	_ =	shalt  }
0x73: {  	_ =	shalt  }
0x74: {  	_ =	shalt  }
0x75: {  	_ =	shalt  }
0x76: {  	_ =	shalt  }
0x77: {  	_ =	shalt  }
0x78: {  	_ =	shalt  }
0x79: {  	_ =	shalt  }
0x7a: {  	_ =	shalt  }
0x7b: {  	_ =	shalt  }
0x7c: {  	_ =	shalt  }
0x7d: {  	_ =	shalt  }
0x7e: {  	_ =	shalt  }
0x7f: {  	_ =	shalt  }
0x80: {  	_ =	shalt  }
0x81: {  	_ =	shalt  }
0x82: {  	_ =	shalt  }
0x83: {  	_ =	shalt  }
0x84: {  	_ =	shalt  }
0x85: {  	_ =	shalt  }
0x86: {  	_ =	shalt  }
0x87: {  	_ =	shalt  }
.Lfunc_end0:
.L_simem_size_0:
called_computation_lowered:
.L_overlay_start_0:
0x88: {  	s2 =	sld [smem:$0x3FD9]  }
0x89: {  	s3 =	sld [smem:$0x3FFE];
	_ =	sdelay $0x1  }
0x8a: {  	s1 =	srdreg.scid  }
0x8b: {  	s0 =	sand.u32 $0x1, s1  }
0x8c: {  	s14 =	sshll.u32 s0, $0xA;
	s2 =	sadd.s32 s3, s2  }
0x8d: {  	s2 =	sadd.s32 s2, s14  }
0x8e: {  	[smem:$0x3FBA] =	sst s2  }
0x8f: {  	_ = 	snop  }
0x90: {  	s2 =	sld [smem:$0x3FD0];
	_ =	sdelay $0x2  }
0x91: {  	s15 =	simm.s32 $0xA;
	s4 =	simm.s32 $0x10  }
0x92: {  	[smem:s4], [sflag:s15] =	dma.local [hbm:s2], $0x1  }
0x93: {  	_ =	swait.eq [sflag:s15], $0x1  }
0x94: {  	[sflag:s15] =	ssyncset.done $0x0  }
0x95: {  	s16 =	sld [smem:$0x10];
	[sflag:s15] =	ssyncadd.s32 $0xFFFFFFFF  }
0x96: {  	s17 =	sld [smem:$0x12];
	(tm) =	ssettm $0x1  }
0x97: {  	s18 =	sld [smem:$0x3FFB];
	_ =	sdelay $0x3  }
0x98: {  	_ =	strace s18  }
0x99: {  	s4 =	sld [smem:$0x3FFC];
	_ =	sdelay $0x3  }
0x9a: {  	_ =	strace s4  }
0x9b: {  	s4 =	sld [smem:$0x3FFD];
	_ =	sdelay $0x3  }
0x9c: {  	_ =	strace s4  }
0x9d: {  	_ =	strace $0x8FFFFFFF  }
0x9e: {  	s19 =	sld [smem:$0x3FDB];
	_ =	sdelay $0x1  }
0x9f: {  	s5 =	simm.s32 $_scs_section_size  }
0xa0: {  	s6 =	simm.s32 $_size__tile_overlayer_lowered;
	s7 =	simm.s32 $_tile_overlayer_lowered  }
0xa1: {  	s22 =	simm.s32 $0x1BFF;
	s21 =	sshll.u32 s7, $0x1;
	s4 =	sadd.s32 s5, s19  }
0xa2: {  	s8 =	simm.s32 $0x0;
	s20 =	sshll.u32 s6, $0x1;
	s6 =	sadd.s32 s21, s4  }
0xa3: {  	[timem:s8], [sflag:s22] =	dma.local [hbm:s6], s20  }
0xa4: {  	_ =	swait.ge [sflag:s22], s20  }
0xa5: {  	s5 =	ssub.s32 $0x0, s20;
	[sflag:s22] =	ssyncset.done $0x0  }
0xa6: {  	[sflag:s22] =	ssyncadd.s32 s5;
	_ =	sdelay $0x1  }
0xa7: {  	s23 =	simm.s32 $0x1B8B  }
0xa8: {  	_ =	swait.ge [sflag:s23], $0x1  }
0xa9: {  	[sflag:s23] =	ssyncset.done $0x0  }
0xaa: {  	s25 =	simm.s32 $0x1B8E;
	s24 =	sld [smem:$0x3FFE];
	[sflag:s23] =	ssyncadd.s32 $0xFFFFFFFF  }
0xab: {  	s26 =	simm.s32 $execute0_lowered;
	[smem:$0x3FD2] =	sst s25  }
0xac: {  	s6 =	sshll.u32 s26, $0x1;
	_ =	strace $0x80000046;
	[dreg:$0x1] =	wrdreg $0xFFFFFFFF  }
0xad: {  	s28 =	simm.s32 $_size_execute0_lowered;
	s4 =	sadd.s32 s4, s6;
	[dreg:$0x0] =	wrdreg $0x0  }
0xae: {  	s6 =	sshll.u32 s28, $0x1;
	[dreg:$0x2] =	wrdreg s4  }
0xaf: {  	[dreg:$0x3] =	wrdreg s6  }
0xb0: {  	[dreg:$0x4] =	wrdreg $0xC0  }
0xb1: {  	_ =	task [dreg:s8], $0x5FFFF  }
0xb2: {  	[dreg:$0x1] =	wrdreg $0xFFFFFFFF  }
0xb3: {  	[dreg:$0x0] =	wrdreg $0x60  }
0xb4: {  	[dreg:$0x2] =	wrdreg s17  }
0xb5: {  	[dreg:$0x3] =	wrdreg s24  }
0xb6: {  	[dreg:$0x4] =	wrdreg s16  }
0xb7: {  	[dreg:$0x5] =	wrdreg $0x9  }
0xb8: {  	_ =	task.clear_ibuf [dreg:s8], $0x6FFFF;
	_ =	strace $0x90000046  }
0xb9: {  	s29 =	simm.s32 $0x9;
	_ =	strace $0x80000048  }
0xba: {  	_ =	swait.ge [sflag:s29], $0x1  }
0xbb: {  	[sflag:s29] =	ssyncadd.s32 $0xFFFFFFFF  }
0xbc: {  	_ =	strace $0x90000048  }
0xbd: {  	_ =	sfence  }
0xbe: {  	s30 =	sld [smem:$0x0];
	_ =	sdelay $0x2  }
0xbf: {  	s31 =	sshll.u32 s1, $0xD;
	s1 =	sshrl.u32 s1, $0x2  }
0xc0: {  	s3 =	sand.u32 $0x4000, s31;
	s1 =	sadd.s32 s1, s30  }
0xc1: {  	s0 =	sor.u32 s3, s0;
	s1 =	sshll.u32 s1, $0x11  }
0xc2: {  	s0 =	sor.u32 s1, s0  }
0xc3: {  	s0 =	sadd.s32 $0x8F2B, s0  }
0xc4: {  	[sflag:s0] =	ssyncadd.remote.s32 $0x1  }
0xc5: {  	_ =	sfence.sel $0xFFFF  }
0xc6: {  	[dreg:$0x0] =	wrdreg $0xFFFFFFFF;
	(pc) =	sbr.abs _section_cstart, $3  }
0xc7: {  	[dreg:$0x1] =	wrdreg $0xFFFFFFFF  }
0xc8: {  	_ =	task.clear_ibuf [dreg:s8], $0x2FFFF;
	_ =	strace $0x9FFFFFFF  }
0xc9: {  	(tm) =	ssettm $0x7FFFFFFF  }
tec
execute0_lowered:
.L_overlay_start_1:
0x0: {  	(tag) =	ssettag $0x1  }
0x1: {  	s1 =	srdreg.scid;
	s0 =	stileid.u32  }
0x2: {  	s2 =	rddreg [dreg:$0x0];
	s6 =	sand.u32 $0x1, s1;
	s30 =	sshll.u32 s0, $0x1  }
0x3: {  	s4 =	rddreg [dreg:$0x1];
	s8 =	sor.u32 s6, s30  }
0x4: {  	s9 =	rddreg [dreg:$0x2];
	s3 =	simm.s32 $0x0;
	s5 =	smul.u32 $0x30, s8  }
0x5: {  	[smem:$0x7FF] =	sst s3  }
0x6: {  	s1 =	rddreg [dreg:$0x3];
	_ =	strace $0x80000047;
	s4 =	sadd.s32 s5, s4  }
0x7: {  	s10 =	ssub.s32 $0x2, s6;
	s5 =	sadd.s32 $0x2000, s4;
	s4 =	simm.s32 $0x2  }
0x8: {  	[tilespmem:s3], [sflag:$0x2] =	stream.linear.gather [hbm4b:s5+s3], $0x180, $0x38;
	[tilespmem:$0xC180] =	vst v63  }
0x9: {  	s11 =	sshrl.u32 s10, $0x1;
	_ =	swait.ge [sflag:s4], $0x180  }
0xa: {  	s7 =	simm.s32 $0x1;
	s10 =	ssub.s32 s10, s11;
	[sflag:s4] =	ssyncset.done $0x0  }
0xb: {  	s6 =	simm.s32 $0x180;
	s31 =	smax.u32 s10, $0x1;
	[sflag:s4] =	ssyncadd.s32 $0xFFFFFE80  }
0xc: {  	[tilespmem:s6], [sflag:$0x1] =	stream.indirect.gather [hbm4b:s2+s6], $0x80, s3, s6, $0xb8;
	[tilespmem:$0xC180] =	vst v63  }
0xd: {  	s8 =	smul.u32 $0x1800, s8;
	p0 =	sne.s32 s31, $0x1;
	_ =	swait.ge [sflag:s7], $0xC000  }
.Ltmp0:
0xe: {  	[sflag:s7] =	ssyncset.done $0x0;
	(pc) =	sbr.rel @!p0 .LBB2_2-.Ltmp0, $4  }
0xf: {  	s8 =	sadd.s32 s9, s8;
	[sflag:s7] =	ssyncadd.s32 $0xFFFF4000  }
0x10: {  	[hbm4b:s8+s3] =	stream.linear.scatter [tilespmem:s6], [sflag:$0x2], $0xC000, $0x38;
	[tilespmem:$0xC180] =	vst v63  }
0x11: {  	_ =	swait.ge [sflag:s4], $0xC000  }
0x12: {  	s9 =	sadd.s32 $0xFFFFFFFF, s31;
	[sflag:s4] =	ssyncset.done $0x0  }
.LBB2_1:
0x13: {  	p0 =	sne.s32 s9, $0x1;
	s9 =	sadd.s32 $0xFFFFFFFF, s9;
	[sflag:s4] =	ssyncadd.s32 $0xFFFF4000  }
0x14: {  	[tilespmem:s3], [sflag:$0x2] =	stream.linear.gather [hbm4b:s5+s3], $0x180, $0x38;
	[tilespmem:$0xC180] =	vst v63  }
0x15: {  	_ =	swait.ge [sflag:s4], $0x180  }
0x16: {  	[sflag:s4] =	ssyncset.done $0x0  }
0x17: {  	[sflag:s4] =	ssyncadd.s32 $0xFFFFFE80  }
0x18: {  	[tilespmem:s6], [sflag:$0x1] =	stream.indirect.gather [hbm4b:s2+s6], $0x80, s3, s6, $0xb8;
	[tilespmem:$0xC180] =	vst v63  }
0x19: {  	_ =	swait.ge [sflag:s7], $0xC000  }
.Ltmp1:
0x1a: {  	[sflag:s7] =	ssyncset.done $0x0;
	(pc) =	sbr.rel @p0 .LBB2_1-.Ltmp1, $4  }
0x1b: {  	[sflag:s7] =	ssyncadd.s32 $0xFFFF4000  }
0x1c: {  	[hbm4b:s8+s3] =	stream.linear.scatter [tilespmem:s6], [sflag:$0x2], $0xC000, $0x38;
	[tilespmem:$0xC180] =	vst v63  }
0x1d: {  	_ =	swait.ge [sflag:s4], $0xC000  }
0x1e: {  	[sflag:s4] =	ssyncset.done $0x0  }
.LBB2_2:
0x1f: {  	[sflag:s4] =	ssyncadd.s32 $0xFFFF4000  }
0x20: {  	_ =	sfence.sel $0x180000  }
0x21: {  	[bflag:$0x0] =	sbarrier.arrive $0xFFFF  }
0x22: {  	p0 =	sne.s32 s0, $0x0;
	_ =	strace $0x90000047  }
0x23: {  	s0 =	sadd.s32 @!p0 $0x100000, s1;
	[bflag:$0x2] =	sbarrier.arrive $0xFFFF  }
0x24: {  	[sflag:s0] =	ssyncadd.tile.s32 @!p0 $0x1;
	_ =	shalt  }
.Lfunc_end2:
_tile_overlayer_lowered:
.L_overlay_start_2:
0x25: {  	(tag) =	ssettag $0x2  }
0x26: {  	s0 =	rddreg [dreg:$0x0];
	s2 =	stileid.u32  }
0x27: {  	s1 =	rddreg [dreg:$0x1];
	p0 =	sne.s32 s2, $0x0  }
0x28: {  	s3 =	rddreg [dreg:$0x2];
	[bflag:$0x3] =	sbarrier.arrive $0xFFFF;
	s2 =	simm.s32 @!p0 $0x1C02  }
0x29: {  	[timem:s3], [sflag:s2] =	dma.local @!p0 [hbm:s0], s1  }
0x2a: {  	s0 =	simm.s32 @!p0 $0x2  }
0x2b: {  	_ =	swait.ge @!p0 [sflag:s0], s1  }
0x2c: {  	s1 =	ssub.s32 @!p0 $0x0, s1;
	[sflag:s0] =	ssyncset.done @!p0 $0x0  }
0x2d: {  	[sflag:s0] =	ssyncadd.s32 @!p0 s1  }
0x2e: {  	[bflag:$0x3] =	sbarrier.arrive $0xFFFF  }
0x2f: {  	_ =	shalt  }

</sc_bundles>
